<compile_context>
chip_gen: v7x
topology: tpu7x:2x2x1
jax: 0.10.2.dev20260603
libtpu: 0.0.44.dev20260713+nightly
codegen_flags: <defaults>
</compile_context>

<pallas_src>
import jax
import jax.numpy as jnp
from jax import lax
from jax.experimental import pallas as pl
from jax.experimental.pallas import tpu as pltpu

N = 5000
NMS_THRE = 0.5
B = 1024
NB = 5
NP = NB * B
RWH = 128.0


def _nms_body(boxes_ref, keep_ref):
    b = pl.program_id(0)

    @pl.when(b == 0)
    def _init():
        keep_ref[:, :] = jnp.zeros((NB, B), jnp.float32)

    cur = boxes_ref[pl.ds(b, 1)][0]
    x1r, y1r = cur[0:1, :], cur[1:2, :]
    x2r, y2r = cur[2:3, :], cur[3:4, :]
    area_r = jnp.maximum(x2r - x1r, 0.0) * jnp.maximum(y2r - y1r, 0.0)

    sub_i = lax.broadcasted_iota(jnp.int32, (B, B), 0)
    lane_i = lax.broadcasted_iota(jnp.int32, (B, B), 1)
    eye = (sub_i == lane_i).astype(jnp.float32)

    def to_col(row):
        return jnp.sum(row * eye, axis=1, keepdims=True)

    x1c, y1c = to_col(x1r), to_col(y1r)
    x2c, y2c = to_col(x2r), to_col(y2r)
    area_c = to_col(area_r)

    def iou_hit(ox1, oy1, ox2, oy2, oarea):
        xx1 = jnp.maximum(x1c, ox1)
        yy1 = jnp.maximum(y1c, oy1)
        xx2 = jnp.minimum(x2c, ox2)
        yy2 = jnp.minimum(y2c, oy2)
        inter = jnp.maximum(xx2 - xx1, 0.0) * jnp.maximum(yy2 - yy1, 0.0)
        union = area_c + oarea - inter
        return inter > NMS_THRE * (union + 1e-9)

    def cross(a, sup):
        oth = boxes_ref[pl.ds(a, 1)][0]
        ox1, oy1 = oth[0:1, :], oth[1:2, :]
        ox2, oy2 = oth[2:3, :], oth[3:4, :]
        oarea = jnp.maximum(ox2 - ox1, 0.0) * jnp.maximum(oy2 - oy1, 0.0)
        iou_x = iou_hit(ox1, oy1, ox2, oy2, oarea)
        keep_o = keep_ref[pl.ds(a, 1), :]
        hit = jnp.where(iou_x & (keep_o > 0.5), 1.0, 0.0)
        s = jnp.max(hit, axis=1, keepdims=True)
        return jnp.maximum(sup, s)

    sup_col = lax.fori_loop(0, b, cross, jnp.zeros((B, 1), jnp.float32))

    cand_row = jnp.sum((1.0 - sup_col) * eye, axis=0, keepdims=True)

    iou_bb = iou_hit(x1r, y1r, x2r, y2r, area_r)
    u_mat = jnp.where(iou_bb & (sub_i < lane_i), 1.0, 0.0)

    def fp_cond(state):
        t, changed, _ = state
        return jnp.logical_and(changed > 0.5, t < B)

    def fp_body(state):
        t, _, k_row = state
        k_col = jnp.sum(k_row * eye, axis=1, keepdims=True)
        sup = jnp.max(u_mat * k_col, axis=0, keepdims=True)
        k_new = cand_row * (1.0 - sup)
        changed = jnp.max(jnp.abs(k_new - k_row))
        return t + 1, changed, k_new

    _, _, keep_row = lax.while_loop(
        fp_cond, fp_body, (jnp.int32(0), jnp.float32(1.0), cand_row))
    keep_ref[pl.ds(b, 1), :] = keep_row


def _post_body(pb_ref, pr_ref, aux_ref, aff_ref, out_ref):
    lane = lax.broadcasted_iota(jnp.int32, (1, 128), 1)

    def affc(k):
        return jnp.max(jnp.where(lane == k, aff_ref[0:1, :], 0.0), axis=1,
                       keepdims=True)

    a00, a01, a02 = affc(0), affc(1), affc(2)
    a10, a11, a12 = affc(3), affc(4), affc(5)

    def pre2samp_rows(ref):
        r = ref[:, :]
        ctx = r[0:1, :] * RWH
        cty = r[1:2, :] * RWH
        tx = (a00 * ctx + a01 * cty) + a02
        ty = (a10 * ctx + a11 * cty) + a12
        am0 = (r[2:3, :] * RWH) * a00
        am1 = (r[3:4, :] * RWH) * a11
        am2 = (r[4:5, :] * RWH) * a00
        am3 = (r[5:6, :] * RWH) * a11
        return tx, ty, am0, am1, am2, am3

    tx, ty, am0, am1, am2, am3 = pre2samp_rows(pb_ref)
    ptx, pty, pm0, pm1, pm2, pm3 = pre2samp_rows(pr_ref)

    scores = jax.nn.sigmoid(aux_ref[0:1, :])
    keep = aux_ref[1:2, :]

    rows = jnp.concatenate([
        scores,
        tx - am0, ty - am1, tx + am2, ty + am3,
        tx, ty,
        ptx - pm0, pty - pm1, ptx + pm2, pty + pm3,
        jnp.zeros((5, pb_ref.shape[1]), jnp.float32),
    ], axis=0) * keep
    out_ref[:, :] = rows


def kernel(pred_logits, pred_boxes, pre_boxes, src_valid_trans, patch_area):
    logit1 = pred_logits[0, :, 1]
    scores_nms = jax.nn.sigmoid(logit1)
    order = jnp.argsort(-scores_nms)

    pb0 = pred_boxes[0]
    nnpp = jnp.array([-1.0, -1.0, 1.0, 1.0], jnp.float32)
    rect_copy = pb0[:, 2:6] * nnpp + jnp.tile(pb0[:, 0:2], (1, 2))
    rect_sorted = rect_copy[order]
    rect_pad = jnp.zeros((NP, 4), jnp.float32).at[:N].set(rect_sorted)
    bs = rect_pad.T.reshape(4, NB, B).transpose(1, 0, 2)
    bs = jnp.concatenate([bs, jnp.zeros((NB, 4, B), jnp.float32)], axis=1)

    keep_blocks = pl.pallas_call(
        _nms_body,
        grid=(NB,),
        in_specs=[pl.BlockSpec((NB, 8, B), lambda i: (0, 0, 0))],
        out_specs=pl.BlockSpec((NB, B), lambda i: (0, 0)),
        out_shape=jax.ShapeDtypeStruct((NB, B), jnp.float32),
    )(bs)

    keep_sorted = keep_blocks.reshape(NP)[:N]
    keep = jnp.zeros((N,), jnp.float32).at[order].set(keep_sorted)

    def chan_major(x):
        t = jnp.zeros((8, NP), jnp.float32)
        return t.at[:6, :N].set(x.T)

    pbT = chan_major(pb0)
    prT = chan_major(pre_boxes[0])
    aux = jnp.zeros((8, NP), jnp.float32).at[0, :N].set(logit1).at[1, :N].set(keep)
    aff = jnp.zeros((8, 128), jnp.float32).at[0, :6].set(
        src_valid_trans[0, 0].reshape(6))

    res = pl.pallas_call(
        _post_body,
        in_specs=[pl.BlockSpec((8, NP), lambda: (0, 0)),
                  pl.BlockSpec((8, NP), lambda: (0, 0)),
                  pl.BlockSpec((8, NP), lambda: (0, 0)),
                  pl.BlockSpec((8, 128), lambda: (0, 0))],
        out_specs=pl.BlockSpec((16, NP), lambda: (0, 0)),
        out_shape=jax.ShapeDtypeStruct((16, NP), jnp.float32),
    )(pbT, prT, aux, aff)

    out = res[:11, :N].T[None]
    return out, patch_area

# --- scband reference (transcript-rebuilt; emitter-appended) ---
"""Pipeline reference for scband-post-process-33861522162352 (READ-ONLY COPY).

The authoritative reference and input builder live on the scoring server;
editing this copy changes nothing except your own understanding.
"""

import jax, jax.numpy as jnp
import numpy as np

N = 5000
NMS_THRE = 0.5
INPUT_W = 1024
INPUT_H = 1024


def setup_inputs(seed: int = 0) -> dict:
    key = jax.random.key(seed)
    k1, k2, k3, k4, k5 = jax.random.split(key, 5)
    pred_logits = jax.random.normal(k1, (1, N, 2), dtype=jnp.float32)
    pred_boxes = jax.random.uniform(k2, (1, N, 6), dtype=jnp.float32)
    pre_boxes = jax.random.uniform(k3, (1, N, 6), dtype=jnp.float32)
    src_valid_trans = jax.random.uniform(k4, (1, 1, 2, 3), dtype=jnp.float32)
    patch_area = jax.random.uniform(k5, (1, 4), dtype=jnp.float32)
    return {
        'pred_logits': pred_logits,
        'pred_boxes': pred_boxes,
        'pre_boxes': pre_boxes,
        'src_valid_trans': src_valid_trans,
        'patch_area': patch_area,
    }


def _iou_matrix(boxes):
    x1, y1, x2, y2 = boxes[:, 0], boxes[:, 1], boxes[:, 2], boxes[:, 3]
    areas = jnp.clip(x2 - x1, 0.0) * jnp.clip(y2 - y1, 0.0)
    xx1 = jnp.maximum(x1[:, None], x1[None, :])
    yy1 = jnp.maximum(y1[:, None], y1[None, :])
    xx2 = jnp.minimum(x2[:, None], x2[None, :])
    yy2 = jnp.minimum(y2[:, None], y2[None, :])
    inter = jnp.clip(xx2 - xx1, 0.0) * jnp.clip(yy2 - yy1, 0.0)
    union = areas[:, None] + areas[None, :] - inter
    return inter / (union + 1e-9)


def nms_keep_mask(boxes, scores, iou_threshold):
    # greedy NMS, returns boolean keep mask aligned with original box order
    n = boxes.shape[0]
    order = jnp.argsort(-scores)
    iou = _iou_matrix(boxes[order])
    idx = jnp.arange(n)

    def body(i, keep):
        sup = (iou[i] > iou_threshold) & (idx > i)
        sup = jnp.where(keep[i], sup, jnp.zeros_like(sup))
        return keep & (~sup)

    keep_sorted = jax.lax.fori_loop(0, n, body, jnp.ones((n,), dtype=bool))
    return jnp.zeros((n,), dtype=bool).at[order].set(keep_sorted)


def pre2samp(boxes, valid_trans, recti_wh):
    # boxes: [B, K, 6] = (ct_x, ct_y, l, t, r, b) normalized; valid_trans: [B, 1, 2, 3] affine
    ct = boxes[..., :2] * recti_wh
    A = valid_trans[:, 0]  # [B, 2, 3]
    ct_t = jnp.einsum('bij,bkj->bki', A[:, :, :2], ct) + A[:, None, :, 2]
    scale = jnp.stack([A[:, 0, 0], A[:, 1, 1], A[:, 0, 0], A[:, 1, 1]], axis=-1)  # [B, 4]
    wh4 = jnp.concatenate([recti_wh, recti_wh])
    amodal = boxes[..., 2:] * wh4 * scale[:, None, :]
    return jnp.concatenate([ct_t, amodal], axis=-1)


def reference(pred_logits, pred_boxes, pre_boxes, src_valid_trans, patch_area):
    nnpp = jnp.array([-1.0, -1.0, 1.0, 1.0], dtype=jnp.float32)
    out_prob = jax.nn.sigmoid(pred_logits)
    scores = jnp.max(out_prob[..., 1:2], axis=-1)  # [1, N]

    out_bbox_copy = pred_boxes[0]  # [N, 6]
    ct_copy = out_bbox_copy[..., :2]
    bbox_amodal_copy = out_bbox_copy[..., 2:]
    rect_copy = bbox_amodal_copy * nnpp + jnp.tile(ct_copy, (1, 2))

    keep = nms_keep_mask(rect_copy, out_prob[0, :, 1], NMS_THRE)

    recti_wh = jnp.array([INPUT_W // 8, INPUT_H // 8], dtype=jnp.float32)
    boxes = pre2samp(pred_boxes, src_valid_trans, recti_wh)
    pre_boxes_s = pre2samp(pre_boxes, src_valid_trans, recti_wh)

    ct = boxes[..., :2]
    pre_box = pre_boxes_s[..., 2:] * nnpp + jnp.tile(pre_boxes_s[..., :2], (1, 1, 2))
    bbox_amodal = boxes[..., 2:]
    rect = bbox_amodal * nnpp + jnp.tile(ct, (1, 1, 2))

    m = keep.astype(jnp.float32)[None, :, None]
    out = jnp.concatenate([scores[..., None], rect, ct, pre_box], axis=-1) * m  # [1, N, 11]
    return out, patch_area

if __name__ == "__main__":
    import jax
    _d = setup_inputs()
    print(jax.jit(kernel)(*tuple(_d.values())))

</pallas_src>

<mosaic_0001>
module attributes {stable_mosaic.version = 14 : i64} {
  func.func @_nms_body(%arg0: i32, %arg1: memref<5x8x1024xf32, #tpu.memory_space<vmem>>, %arg2: memref<5x1024xf32, #tpu.memory_space<vmem>>) attributes {dimension_semantics = [#tpu.dimension_semantics<arbitrary>], iteration_bounds = array<i64: 5>, scalar_prefetch = 0 : i64, scratch_operands = 0 : i64, tpu.core_type = #tpu.core_type<tc>, window_params = [{pipeline_mode = #tpu.pipeline_mode<synchronous>, transform_indices = @transform_0, window_bounds = array<i64: 5, 8, 1024>}, {pipeline_mode = #tpu.pipeline_mode<synchronous>, transform_indices = @transform_1, window_bounds = array<i64: 5, 1024>}]} {
    %eq3A = arith.constant 0 : i32
    %eq3A_0 = arith.cmpi eq, %arg0, %eq3A : i32
    %convert_element_type3A = arith.extui %eq3A_0 : i1 to i32
    %cond3A = arith.constant 0 : i32
    %cond3A_1 = arith.cmpi ne, %convert_element_type3A, %cond3A : i32
    scf.if %cond3A_1 {
      %broadcast_in_dim3A_98 = arith.constant 0.000000e+00 : f32
      %broadcast_in_dim3A_99 = vector.broadcast %broadcast_in_dim3A_98 : f32 to vector<5x1024xf32>
      %swap3A_100 = arith.constant 0 : index
      %swap3A_101 = arith.constant 0 : index
      %swap3A_102 = vector.load %arg2[%swap3A_100, %swap3A_101] : memref<5x1024xf32, #tpu.memory_space<vmem>>, vector<5x1024xf32>
      tpu.vector_store %arg2[%swap3A_100, %swap3A_101], %broadcast_in_dim3A_99 {strides = array<i32>} : memref<5x1024xf32, #tpu.memory_space<vmem>>, vector<5x1024xf32>,
    } else {
    }
    %get3A = arith.index_cast %arg0 : i32 to index
    %get3A_2 = arith.constant 0 : index
    %get3A_3 = arith.constant 0 : index
    %get3A_4 = vector.load %arg1[%get3A, %get3A_2, %get3A_3] : memref<5x8x1024xf32, #tpu.memory_space<vmem>>, vector<1x8x1024xf32>
    %squeeze3A = vector.shape_cast %get3A_4 : vector<1x8x1024xf32> to vector<8x1024xf32>
    %slice3A = vector.extract_strided_slice %squeeze3A {offsets = [0, 0], sizes = [1, 1024], strides = [1, 1]} : vector<8x1024xf32> to vector<1x1024xf32>
    %slice3A_5 = vector.extract_strided_slice %squeeze3A {offsets = [1, 0], sizes = [1, 1024], strides = [1, 1]} : vector<8x1024xf32> to vector<1x1024xf32>
    %slice3A_6 = vector.extract_strided_slice %squeeze3A {offsets = [2, 0], sizes = [1, 1024], strides = [1, 1]} : vector<8x1024xf32> to vector<1x1024xf32>
    %slice3A_7 = vector.extract_strided_slice %squeeze3A {offsets = [3, 0], sizes = [1, 1024], strides = [1, 1]} : vector<8x1024xf32> to vector<1x1024xf32>
    %sub3A = arith.subf %slice3A_6, %slice3A : vector<1x1024xf32>
    %max3A = arith.constant 0.000000e+00 : f32
    %max3A_8 = vector.broadcast %max3A : f32 to vector<1x1024xf32>
    %max3A_9 = arith.maximumf %sub3A, %max3A_8 : vector<1x1024xf32>
    %sub3A_10 = arith.subf %slice3A_7, %slice3A_5 : vector<1x1024xf32>
    %max3A_11 = arith.constant 0.000000e+00 : f32
    %max3A_12 = vector.broadcast %max3A_11 : f32 to vector<1x1024xf32>
    %max3A_13 = arith.maximumf %sub3A_10, %max3A_12 : vector<1x1024xf32>
    %mul3A = arith.mulf %max3A_9, %max3A_13 : vector<1x1024xf32>
    %iota3A = tpu.iota {dimensions = array<i32: 0>} : vector<1024x1024xi32>
    %iota3A_14 = tpu.iota {dimensions = array<i32: 1>} : vector<1024x1024xi32>
    %eq3A_15 = arith.cmpi eq, %iota3A, %iota3A_14 : vector<1024x1024xi32>
    %convert_element_type3A_16 = arith.extui %eq3A_15 : vector<1024x1024xi1> to vector<1024x1024xi32>
    %convert_element_type3A_17 = arith.sitofp %convert_element_type3A_16 : vector<1024x1024xi32> to vector<1024x1024xf32>
    %mul3A_18 = vector.broadcast %slice3A : vector<1x1024xf32> to vector<1024x1024xf32>
    %mul3A_19 = arith.mulf %mul3A_18, %convert_element_type3A_17 : vector<1024x1024xf32>
    %reduce_sum3A = arith.constant dense<0.000000e+00> : vector<1024xf32>
    %reduce_sum3A_20 = vector.multi_reduction <add>, %mul3A_19, %reduce_sum3A [1] : vector<1024x1024xf32> to vector<1024xf32>
    %broadcast_in_dim3A = vector.shape_cast %reduce_sum3A_20 : vector<1024xf32> to vector<1024x1xf32>
    %mul3A_21 = vector.broadcast %slice3A_5 : vector<1x1024xf32> to vector<1024x1024xf32>
    %mul3A_22 = arith.mulf %mul3A_21, %convert_element_type3A_17 : vector<1024x1024xf32>
    %reduce_sum3A_23 = arith.constant dense<0.000000e+00> : vector<1024xf32>
    %reduce_sum3A_24 = vector.multi_reduction <add>, %mul3A_22, %reduce_sum3A_23 [1] : vector<1024x1024xf32> to vector<1024xf32>
    %broadcast_in_dim3A_25 = vector.shape_cast %reduce_sum3A_24 : vector<1024xf32> to vector<1024x1xf32>
    %mul3A_26 = vector.broadcast %slice3A_6 : vector<1x1024xf32> to vector<1024x1024xf32>
    %mul3A_27 = arith.mulf %mul3A_26, %convert_element_type3A_17 : vector<1024x1024xf32>
    %reduce_sum3A_28 = arith.constant dense<0.000000e+00> : vector<1024xf32>
    %reduce_sum3A_29 = vector.multi_reduction <add>, %mul3A_27, %reduce_sum3A_28 [1] : vector<1024x1024xf32> to vector<1024xf32>
    %broadcast_in_dim3A_30 = vector.shape_cast %reduce_sum3A_29 : vector<1024xf32> to vector<1024x1xf32>
    %mul3A_31 = vector.broadcast %slice3A_7 : vector<1x1024xf32> to vector<1024x1024xf32>
    %mul3A_32 = arith.mulf %mul3A_31, %convert_element_type3A_17 : vector<1024x1024xf32>
    %reduce_sum3A_33 = arith.constant dense<0.000000e+00> : vector<1024xf32>
    %reduce_sum3A_34 = vector.multi_reduction <add>, %mul3A_32, %reduce_sum3A_33 [1] : vector<1024x1024xf32> to vector<1024xf32>
    %broadcast_in_dim3A_35 = vector.shape_cast %reduce_sum3A_34 : vector<1024xf32> to vector<1024x1xf32>
    %mul3A_36 = vector.broadcast %mul3A : vector<1x1024xf32> to vector<1024x1024xf32>
    %mul3A_37 = arith.mulf %mul3A_36, %convert_element_type3A_17 : vector<1024x1024xf32>
    %reduce_sum3A_38 = arith.constant dense<0.000000e+00> : vector<1024xf32>
    %reduce_sum3A_39 = vector.multi_reduction <add>, %mul3A_37, %reduce_sum3A_38 [1] : vector<1024x1024xf32> to vector<1024xf32>
    %broadcast_in_dim3A_40 = vector.shape_cast %reduce_sum3A_39 : vector<1024xf32> to vector<1024x1xf32>
    %broadcast_in_dim3A_41 = arith.constant 0.000000e+00 : f32
    %broadcast_in_dim3A_42 = vector.broadcast %broadcast_in_dim3A_41 : f32 to vector<1024x1xf32>
    %while3A = arith.constant 0 : i32
    %while3A_43 = arith.subi %arg0, %while3A : i32
    %while3A_44 = arith.addi %while3A, %while3A_43 : i32
    %while3A_45 = arith.constant 1 : i32
    %while3A_46 = arith.divsi %while3A_43, %while3A_45 : i32
    %while3A_47 = arith.muli %while3A_46, %while3A_45 : i32
    %while3A_48 = arith.addi %while3A, %while3A_47 : i32
    %while3A_49 = arith.constant 1 : i32
    %while3A_50 = scf.for %while3A_98 = %while3A to %while3A_48 step %while3A_49 iter_args(%while3A_99 = %broadcast_in_dim3A_42) -> (vector<1024x1xf32>)  : i32 {
      %get3A_100 = arith.index_cast %while3A_98 : i32 to index
      %get3A_101 = arith.constant 0 : index
      %get3A_102 = arith.constant 0 : index
      %get3A_103 = vector.load %arg1[%get3A_100, %get3A_101, %get3A_102] : memref<5x8x1024xf32, #tpu.memory_space<vmem>>, vector<1x8x1024xf32>
      %squeeze3A_104 = vector.shape_cast %get3A_103 : vector<1x8x1024xf32> to vector<8x1024xf32>
      %slice3A_105 = vector.extract_strided_slice %squeeze3A_104 {offsets = [0, 0], sizes = [1, 1024], strides = [1, 1]} : vector<8x1024xf32> to vector<1x1024xf32>
      %slice3A_106 = vector.extract_strided_slice %squeeze3A_104 {offsets = [1, 0], sizes = [1, 1024], strides = [1, 1]} : vector<8x1024xf32> to vector<1x1024xf32>
      %slice3A_107 = vector.extract_strided_slice %squeeze3A_104 {offsets = [2, 0], sizes = [1, 1024], strides = [1, 1]} : vector<8x1024xf32> to vector<1x1024xf32>
      %slice3A_108 = vector.extract_strided_slice %squeeze3A_104 {offsets = [3, 0], sizes = [1, 1024], strides = [1, 1]} : vector<8x1024xf32> to vector<1x1024xf32>
      %sub3A_109 = arith.subf %slice3A_107, %slice3A_105 : vector<1x1024xf32>
      %max3A_110 = arith.constant 0.000000e+00 : f32
      %max3A_111 = vector.broadcast %max3A_110 : f32 to vector<1x1024xf32>
      %max3A_112 = arith.maximumf %sub3A_109, %max3A_111 : vector<1x1024xf32>
      %sub3A_113 = arith.subf %slice3A_108, %slice3A_106 : vector<1x1024xf32>
      %max3A_114 = arith.constant 0.000000e+00 : f32
      %max3A_115 = vector.broadcast %max3A_114 : f32 to vector<1x1024xf32>
      %max3A_116 = arith.maximumf %sub3A_113, %max3A_115 : vector<1x1024xf32>
      %mul3A_117 = arith.mulf %max3A_112, %max3A_116 : vector<1x1024xf32>
      %max3A_118 = vector.broadcast %broadcast_in_dim3A : vector<1024x1xf32> to vector<1024x1024xf32>
      %max3A_119 = vector.broadcast %slice3A_105 : vector<1x1024xf32> to vector<1024x1024xf32>
      %max3A_120 = arith.maximumf %max3A_118, %max3A_119 : vector<1024x1024xf32>
      %max3A_121 = vector.broadcast %broadcast_in_dim3A_25 : vector<1024x1xf32> to vector<1024x1024xf32>
      %max3A_122 = vector.broadcast %slice3A_106 : vector<1x1024xf32> to vector<1024x1024xf32>
      %max3A_123 = arith.maximumf %max3A_121, %max3A_122 : vector<1024x1024xf32>
      %min3A_124 = vector.broadcast %broadcast_in_dim3A_30 : vector<1024x1xf32> to vector<1024x1024xf32>
      %min3A_125 = vector.broadcast %slice3A_107 : vector<1x1024xf32> to vector<1024x1024xf32>
      %min3A_126 = arith.minimumf %min3A_124, %min3A_125 : vector<1024x1024xf32>
      %min3A_127 = vector.broadcast %broadcast_in_dim3A_35 : vector<1024x1xf32> to vector<1024x1024xf32>
      %min3A_128 = vector.broadcast %slice3A_108 : vector<1x1024xf32> to vector<1024x1024xf32>
      %min3A_129 = arith.minimumf %min3A_127, %min3A_128 : vector<1024x1024xf32>
      %sub3A_130 = arith.subf %min3A_126, %max3A_120 : vector<1024x1024xf32>
      %max3A_131 = arith.constant 0.000000e+00 : f32
      %max3A_132 = vector.broadcast %max3A_131 : f32 to vector<1024x1024xf32>
      %max3A_133 = arith.maximumf %sub3A_130, %max3A_132 : vector<1024x1024xf32>
      %sub3A_134 = arith.subf %min3A_129, %max3A_123 : vector<1024x1024xf32>
      %max3A_135 = arith.constant 0.000000e+00 : f32
      %max3A_136 = vector.broadcast %max3A_135 : f32 to vector<1024x1024xf32>
      %max3A_137 = arith.maximumf %sub3A_134, %max3A_136 : vector<1024x1024xf32>
      %mul3A_138 = arith.mulf %max3A_133, %max3A_137 : vector<1024x1024xf32>
      %add3A_139 = vector.broadcast %broadcast_in_dim3A_40 : vector<1024x1xf32> to vector<1024x1024xf32>
      %add3A_140 = vector.broadcast %mul3A_117 : vector<1x1024xf32> to vector<1024x1024xf32>
      %add3A_141 = arith.addf %add3A_139, %add3A_140 : vector<1024x1024xf32>
      %sub3A_142 = arith.subf %add3A_141, %mul3A_138 : vector<1024x1024xf32>
      %add3A_143 = arith.constant 9.99999971E-10 : f32
      %add3A_144 = vector.broadcast %add3A_143 : f32 to vector<1024x1024xf32>
      %add3A_145 = arith.addf %sub3A_142, %add3A_144 : vector<1024x1024xf32>
      %mul3A_146 = arith.constant 5.000000e-01 : f32
      %mul3A_147 = vector.broadcast %mul3A_146 : f32 to vector<1024x1024xf32>
      %mul3A_148 = arith.mulf %mul3A_147, %add3A_145 : vector<1024x1024xf32>
      %gt3A_149 = arith.cmpf ogt, %mul3A_138, %mul3A_148 : vector<1024x1024xf32>
      %get3A_150 = arith.index_cast %while3A_98 : i32 to index
      %get3A_151 = arith.constant 0 : index
      %get3A_152 = vector.load %arg2[%get3A_150, %get3A_151] : memref<5x1024xf32, #tpu.memory_space<vmem>>, vector<1x1024xf32>
      %gt3A_153 = arith.constant 5.000000e-01 : f32
      %gt3A_154 = vector.broadcast %gt3A_153 : f32 to vector<1x1024xf32>
      %gt3A_155 = arith.cmpf ogt, %get3A_152, %gt3A_154 : vector<1x1024xf32>
      %and3A_156 = vector.broadcast %gt3A_155 : vector<1x1024xi1> to vector<1024x1024xi1>
      %and3A_157 = arith.andi %gt3A_149, %and3A_156 : vector<1024x1024xi1>
      %jit3A_158 = arith.constant 1.000000e+00 : f32
      %jit3A_159 = arith.constant 0.000000e+00 : f32
      %broadcast_in_dim3A_160 = vector.broadcast %jit3A_158 : f32 to vector<1024x1024xf32>
      %broadcast_in_dim3A_161 = vector.broadcast %jit3A_159 : f32 to vector<1024x1024xf32>
      %select_n3A_162 = arith.select %and3A_157, %broadcast_in_dim3A_160, %broadcast_in_dim3A_161 : vector<1024x1024xi1>, vector<1024x1024xf32>
      %reduce_max3A = arith.constant dense<0xFF800000> : vector<1024xf32>
      %reduce_max3A_163 = vector.multi_reduction <maximumf>, %select_n3A_162, %reduce_max3A [1] : vector<1024x1024xf32> to vector<1024xf32>
      %broadcast_in_dim3A_164 = vector.shape_cast %reduce_max3A_163 : vector<1024xf32> to vector<1024x1xf32>
      %max3A_165 = arith.maximumf %while3A_99, %broadcast_in_dim3A_164 : vector<1024x1xf32>
      scf.yield %max3A_165 : vector<1024x1xf32>
    }
    %while3A_51 = arith.constant 1 : i32
    %while3A_52 = scf.for %while3A_98 = %while3A_48 to %while3A_44 step %while3A_51 iter_args(%while3A_99 = %while3A_50) -> (vector<1024x1xf32>)  : i32 {
      %get3A_100 = arith.index_cast %while3A_98 : i32 to index
      %get3A_101 = arith.constant 0 : index
      %get3A_102 = arith.constant 0 : index
      %get3A_103 = vector.load %arg1[%get3A_100, %get3A_101, %get3A_102] : memref<5x8x1024xf32, #tpu.memory_space<vmem>>, vector<1x8x1024xf32>
      %squeeze3A_104 = vector.shape_cast %get3A_103 : vector<1x8x1024xf32> to vector<8x1024xf32>
      %slice3A_105 = vector.extract_strided_slice %squeeze3A_104 {offsets = [0, 0], sizes = [1, 1024], strides = [1, 1]} : vector<8x1024xf32> to vector<1x1024xf32>
      %slice3A_106 = vector.extract_strided_slice %squeeze3A_104 {offsets = [1, 0], sizes = [1, 1024], strides = [1, 1]} : vector<8x1024xf32> to vector<1x1024xf32>
      %slice3A_107 = vector.extract_strided_slice %squeeze3A_104 {offsets = [2, 0], sizes = [1, 1024], strides = [1, 1]} : vector<8x1024xf32> to vector<1x1024xf32>
      %slice3A_108 = vector.extract_strided_slice %squeeze3A_104 {offsets = [3, 0], sizes = [1, 1024], strides = [1, 1]} : vector<8x1024xf32> to vector<1x1024xf32>
      %sub3A_109 = arith.subf %slice3A_107, %slice3A_105 : vector<1x1024xf32>
      %max3A_110 = arith.constant 0.000000e+00 : f32
      %max3A_111 = vector.broadcast %max3A_110 : f32 to vector<1x1024xf32>
      %max3A_112 = arith.maximumf %sub3A_109, %max3A_111 : vector<1x1024xf32>
      %sub3A_113 = arith.subf %slice3A_108, %slice3A_106 : vector<1x1024xf32>
      %max3A_114 = arith.constant 0.000000e+00 : f32
      %max3A_115 = vector.broadcast %max3A_114 : f32 to vector<1x1024xf32>
      %max3A_116 = arith.maximumf %sub3A_113, %max3A_115 : vector<1x1024xf32>
      %mul3A_117 = arith.mulf %max3A_112, %max3A_116 : vector<1x1024xf32>
      %max3A_118 = vector.broadcast %broadcast_in_dim3A : vector<1024x1xf32> to vector<1024x1024xf32>
      %max3A_119 = vector.broadcast %slice3A_105 : vector<1x1024xf32> to vector<1024x1024xf32>
      %max3A_120 = arith.maximumf %max3A_118, %max3A_119 : vector<1024x1024xf32>
      %max3A_121 = vector.broadcast %broadcast_in_dim3A_25 : vector<1024x1xf32> to vector<1024x1024xf32>
      %max3A_122 = vector.broadcast %slice3A_106 : vector<1x1024xf32> to vector<1024x1024xf32>
      %max3A_123 = arith.maximumf %max3A_121, %max3A_122 : vector<1024x1024xf32>
      %min3A_124 = vector.broadcast %broadcast_in_dim3A_30 : vector<1024x1xf32> to vector<1024x1024xf32>
      %min3A_125 = vector.broadcast %slice3A_107 : vector<1x1024xf32> to vector<1024x1024xf32>
      %min3A_126 = arith.minimumf %min3A_124, %min3A_125 : vector<1024x1024xf32>
      %min3A_127 = vector.broadcast %broadcast_in_dim3A_35 : vector<1024x1xf32> to vector<1024x1024xf32>
      %min3A_128 = vector.broadcast %slice3A_108 : vector<1x1024xf32> to vector<1024x1024xf32>
      %min3A_129 = arith.minimumf %min3A_127, %min3A_128 : vector<1024x1024xf32>
      %sub3A_130 = arith.subf %min3A_126, %max3A_120 : vector<1024x1024xf32>
      %max3A_131 = arith.constant 0.000000e+00 : f32
      %max3A_132 = vector.broadcast %max3A_131 : f32 to vector<1024x1024xf32>
      %max3A_133 = arith.maximumf %sub3A_130, %max3A_132 : vector<1024x1024xf32>
      %sub3A_134 = arith.subf %min3A_129, %max3A_123 : vector<1024x1024xf32>
      %max3A_135 = arith.constant 0.000000e+00 : f32
      %max3A_136 = vector.broadcast %max3A_135 : f32 to vector<1024x1024xf32>
      %max3A_137 = arith.maximumf %sub3A_134, %max3A_136 : vector<1024x1024xf32>
      %mul3A_138 = arith.mulf %max3A_133, %max3A_137 : vector<1024x1024xf32>
      %add3A_139 = vector.broadcast %broadcast_in_dim3A_40 : vector<1024x1xf32> to vector<1024x1024xf32>
      %add3A_140 = vector.broadcast %mul3A_117 : vector<1x1024xf32> to vector<1024x1024xf32>
      %add3A_141 = arith.addf %add3A_139, %add3A_140 : vector<1024x1024xf32>
      %sub3A_142 = arith.subf %add3A_141, %mul3A_138 : vector<1024x1024xf32>
      %add3A_143 = arith.constant 9.99999971E-10 : f32
      %add3A_144 = vector.broadcast %add3A_143 : f32 to vector<1024x1024xf32>
      %add3A_145 = arith.addf %sub3A_142, %add3A_144 : vector<1024x1024xf32>
      %mul3A_146 = arith.constant 5.000000e-01 : f32
      %mul3A_147 = vector.broadcast %mul3A_146 : f32 to vector<1024x1024xf32>
      %mul3A_148 = arith.mulf %mul3A_147, %add3A_145 : vector<1024x1024xf32>
      %gt3A_149 = arith.cmpf ogt, %mul3A_138, %mul3A_148 : vector<1024x1024xf32>
      %get3A_150 = arith.index_cast %while3A_98 : i32 to index
      %get3A_151 = arith.constant 0 : index
      %get3A_152 = vector.load %arg2[%get3A_150, %get3A_151] : memref<5x1024xf32, #tpu.memory_space<vmem>>, vector<1x1024xf32>
      %gt3A_153 = arith.constant 5.000000e-01 : f32
      %gt3A_154 = vector.broadcast %gt3A_153 : f32 to vector<1x1024xf32>
      %gt3A_155 = arith.cmpf ogt, %get3A_152, %gt3A_154 : vector<1x1024xf32>
      %and3A_156 = vector.broadcast %gt3A_155 : vector<1x1024xi1> to vector<1024x1024xi1>
      %and3A_157 = arith.andi %gt3A_149, %and3A_156 : vector<1024x1024xi1>
      %jit3A_158 = arith.constant 1.000000e+00 : f32
      %jit3A_159 = arith.constant 0.000000e+00 : f32
      %broadcast_in_dim3A_160 = vector.broadcast %jit3A_158 : f32 to vector<1024x1024xf32>
      %broadcast_in_dim3A_161 = vector.broadcast %jit3A_159 : f32 to vector<1024x1024xf32>
      %select_n3A_162 = arith.select %and3A_157, %broadcast_in_dim3A_160, %broadcast_in_dim3A_161 : vector<1024x1024xi1>, vector<1024x1024xf32>
      %reduce_max3A = arith.constant dense<0xFF800000> : vector<1024xf32>
      %reduce_max3A_163 = vector.multi_reduction <maximumf>, %select_n3A_162, %reduce_max3A [1] : vector<1024x1024xf32> to vector<1024xf32>
      %broadcast_in_dim3A_164 = vector.shape_cast %reduce_max3A_163 : vector<1024xf32> to vector<1024x1xf32>
      %max3A_165 = arith.maximumf %while3A_99, %broadcast_in_dim3A_164 : vector<1024x1xf32>
      scf.yield %max3A_165 : vector<1024x1xf32>
    }
    %sub3A_53 = arith.constant 1.000000e+00 : f32
    %sub3A_54 = vector.broadcast %sub3A_53 : f32 to vector<1024x1xf32>
    %sub3A_55 = arith.subf %sub3A_54, %while3A_52 : vector<1024x1xf32>
    %mul3A_56 = vector.broadcast %sub3A_55 : vector<1024x1xf32> to vector<1024x1024xf32>
    %mul3A_57 = arith.mulf %mul3A_56, %convert_element_type3A_17 : vector<1024x1024xf32>
    %reduce_sum3A_58 = arith.constant dense<0.000000e+00> : vector<1024xf32>
    %reduce_sum3A_59 = vector.multi_reduction <add>, %mul3A_57, %reduce_sum3A_58 [0] : vector<1024x1024xf32> to vector<1024xf32>
    %broadcast_in_dim3A_60 = vector.shape_cast %reduce_sum3A_59 : vector<1024xf32> to vector<1x1024xf32>
    %max3A_61 = vector.broadcast %broadcast_in_dim3A : vector<1024x1xf32> to vector<1024x1024xf32>
    %max3A_62 = vector.broadcast %slice3A : vector<1x1024xf32> to vector<1024x1024xf32>
    %max3A_63 = arith.maximumf %max3A_61, %max3A_62 : vector<1024x1024xf32>
    %max3A_64 = vector.broadcast %broadcast_in_dim3A_25 : vector<1024x1xf32> to vector<1024x1024xf32>
    %max3A_65 = vector.broadcast %slice3A_5 : vector<1x1024xf32> to vector<1024x1024xf32>
    %max3A_66 = arith.maximumf %max3A_64, %max3A_65 : vector<1024x1024xf32>
    %min3A = vector.broadcast %broadcast_in_dim3A_30 : vector<1024x1xf32> to vector<1024x1024xf32>
    %min3A_67 = vector.broadcast %slice3A_6 : vector<1x1024xf32> to vector<1024x1024xf32>
    %min3A_68 = arith.minimumf %min3A, %min3A_67 : vector<1024x1024xf32>
    %min3A_69 = vector.broadcast %broadcast_in_dim3A_35 : vector<1024x1xf32> to vector<1024x1024xf32>
    %min3A_70 = vector.broadcast %slice3A_7 : vector<1x1024xf32> to vector<1024x1024xf32>
    %min3A_71 = arith.minimumf %min3A_69, %min3A_70 : vector<1024x1024xf32>
    %sub3A_72 = arith.subf %min3A_68, %max3A_63 : vector<1024x1024xf32>
    %max3A_73 = arith.constant 0.000000e+00 : f32
    %max3A_74 = vector.broadcast %max3A_73 : f32 to vector<1024x1024xf32>
    %max3A_75 = arith.maximumf %sub3A_72, %max3A_74 : vector<1024x1024xf32>
    %sub3A_76 = arith.subf %min3A_71, %max3A_66 : vector<1024x1024xf32>
    %max3A_77 = arith.constant 0.000000e+00 : f32
    %max3A_78 = vector.broadcast %max3A_77 : f32 to vector<1024x1024xf32>
    %max3A_79 = arith.maximumf %sub3A_76, %max3A_78 : vector<1024x1024xf32>
    %mul3A_80 = arith.mulf %max3A_75, %max3A_79 : vector<1024x1024xf32>
    %add3A = vector.broadcast %broadcast_in_dim3A_40 : vector<1024x1xf32> to vector<1024x1024xf32>
    %add3A_81 = vector.broadcast %mul3A : vector<1x1024xf32> to vector<1024x1024xf32>
    %add3A_82 = arith.addf %add3A, %add3A_81 : vector<1024x1024xf32>
    %sub3A_83 = arith.subf %add3A_82, %mul3A_80 : vector<1024x1024xf32>
    %add3A_84 = arith.constant 9.99999971E-10 : f32
    %add3A_85 = vector.broadcast %add3A_84 : f32 to vector<1024x1024xf32>
    %add3A_86 = arith.addf %sub3A_83, %add3A_85 : vector<1024x1024xf32>
    %mul3A_87 = arith.constant 5.000000e-01 : f32
    %mul3A_88 = vector.broadcast %mul3A_87 : f32 to vector<1024x1024xf32>
    %mul3A_89 = arith.mulf %mul3A_88, %add3A_86 : vector<1024x1024xf32>
    %gt3A = arith.cmpf ogt, %mul3A_80, %mul3A_89 : vector<1024x1024xf32>
    %lt3A = arith.cmpi slt, %iota3A, %iota3A_14 : vector<1024x1024xi32>
    %and3A = arith.andi %gt3A, %lt3A : vector<1024x1024xi1>
    %jit3A = arith.constant 1.000000e+00 : f32
    %jit3A_90 = arith.constant 0.000000e+00 : f32
    %broadcast_in_dim3A_91 = vector.broadcast %jit3A : f32 to vector<1024x1024xf32>
    %broadcast_in_dim3A_92 = vector.broadcast %jit3A_90 : f32 to vector<1024x1024xf32>
    %select_n3A = arith.select %and3A, %broadcast_in_dim3A_91, %broadcast_in_dim3A_92 : vector<1024x1024xi1>, vector<1024x1024xf32>
    %while3A_93 = arith.constant 0 : i32
    %while3A_94 = arith.constant 1.000000e+00 : f32
    %while3A_95:3 = scf.while (%while3A_98 = %while3A_93, %while3A_99 = %while3A_94, %while3A_100 = %broadcast_in_dim3A_60) : (i32, f32, vector<1x1024xf32>) -> (i32, f32, vector<1x1024xf32>) {
      %gt3A_101 = arith.constant 5.000000e-01 : f32
      %gt3A_102 = arith.cmpf ogt, %while3A_99, %gt3A_101 : f32
      %lt3A_103 = arith.constant 1024 : i32
      %lt3A_104 = arith.cmpi slt, %while3A_98, %lt3A_103 : i32
      %and3A_105 = arith.andi %gt3A_102, %lt3A_104 : i1
      scf.condition(%and3A_105) %while3A_98, %while3A_99, %while3A_100 : i32, f32, vector<1x1024xf32>
    } do {
    ^bb0(%while3A_98: i32, %while3A_99: f32, %while3A_100: vector<1x1024xf32>):
      %mul3A_101 = vector.broadcast %while3A_100 : vector<1x1024xf32> to vector<1024x1024xf32>
      %mul3A_102 = arith.mulf %mul3A_101, %convert_element_type3A_17 : vector<1024x1024xf32>
      %reduce_sum3A_103 = arith.constant dense<0.000000e+00> : vector<1024xf32>
      %reduce_sum3A_104 = vector.multi_reduction <add>, %mul3A_102, %reduce_sum3A_103 [1] : vector<1024x1024xf32> to vector<1024xf32>
      %broadcast_in_dim3A_105 = vector.shape_cast %reduce_sum3A_104 : vector<1024xf32> to vector<1024x1xf32>
      %mul3A_106 = vector.broadcast %broadcast_in_dim3A_105 : vector<1024x1xf32> to vector<1024x1024xf32>
      %mul3A_107 = arith.mulf %select_n3A, %mul3A_106 : vector<1024x1024xf32>
      %reduce_max3A = arith.constant dense<0xFF800000> : vector<1024xf32>
      %reduce_max3A_108 = vector.multi_reduction <maximumf>, %mul3A_107, %reduce_max3A [0] : vector<1024x1024xf32> to vector<1024xf32>
      %broadcast_in_dim3A_109 = vector.shape_cast %reduce_max3A_108 : vector<1024xf32> to vector<1x1024xf32>
      %sub3A_110 = arith.constant 1.000000e+00 : f32
      %sub3A_111 = vector.broadcast %sub3A_110 : f32 to vector<1x1024xf32>
      %sub3A_112 = arith.subf %sub3A_111, %broadcast_in_dim3A_109 : vector<1x1024xf32>
      %mul3A_113 = arith.mulf %broadcast_in_dim3A_60, %sub3A_112 : vector<1x1024xf32>
      %sub3A_114 = arith.subf %mul3A_113, %while3A_100 : vector<1x1024xf32>
      %abs3A = math.absf %sub3A_114 : vector<1x1024xf32>
      %reduce_max3A_115 = vector.shape_cast %abs3A : vector<1x1024xf32> to vector<1x1x1024xf32>
      %reduce_max3A_116 = arith.constant dense<0xFF800000> : vector<1xf32>
      %reduce_max3A_117 = vector.multi_reduction <maximumf>, %reduce_max3A_115, %reduce_max3A_116 [1, 2] : vector<1x1x1024xf32> to vector<1xf32>
      %reduce_max3A_118 = vector.shape_cast %reduce_max3A_117 : vector<1xf32> to vector<1x1x1xf32>
      %reduce_max3A_119 = vector.extract %reduce_max3A_118[0, 0, 0] : f32 from vector<1x1x1xf32>
      %add3A_120 = arith.constant 1 : i32
      %add3A_121 = arith.addi %while3A_98, %add3A_120 : i32
      scf.yield %add3A_121, %reduce_max3A_119, %mul3A_113 : i32, f32, vector<1x1024xf32>
    }
    %swap3A = arith.index_cast %arg0 : i32 to index
    %swap3A_96 = arith.constant 0 : index
    %swap3A_97 = vector.load %arg2[%swap3A, %swap3A_96] : memref<5x1024xf32, #tpu.memory_space<vmem>>, vector<1x1024xf32>
    tpu.vector_store %arg2[%swap3A, %swap3A_96], %while3A_95#2 {strides = array<i32>} : memref<5x1024xf32, #tpu.memory_space<vmem>>, vector<1x1024xf32>,
    return
  }
  func.func @transform_0(%arg0: i32) -> (i32, i32, i32) {
    %c0_i32 = arith.constant 0 : i32
    %c0_i32_0 = arith.constant 0 : i32
    %c0_i32_1 = arith.constant 0 : i32
    %c0_i32_2 = arith.constant 0 : i32
    return %c0_i32, %c0_i32_0, %c0_i32_1 : i32, i32, i32
  }
  func.func @transform_1(%arg0: i32) -> (i32, i32) {
    %c0_i32 = arith.constant 0 : i32
    %c0_i32_0 = arith.constant 0 : i32
    %c0_i32_1 = arith.constant 0 : i32
    return %c0_i32, %c0_i32_0 : i32, i32
  }
}

module attributes {stable_mosaic.version = 14 : i64} {
  func.func @_post_body(%arg0: memref<8x5120xf32, #tpu.memory_space<vmem>>, %arg1: memref<8x5120xf32, #tpu.memory_space<vmem>>, %arg2: memref<8x5120xf32, #tpu.memory_space<vmem>>, %arg3: memref<8x128xf32, #tpu.memory_space<vmem>>, %arg4: memref<16x5120xf32, #tpu.memory_space<vmem>>) attributes {dimension_semantics = [], scalar_prefetch = 0 : i64, scratch_operands = 0 : i64, tpu.core_type = #tpu.core_type<tc>} {
    %iota3A = tpu.iota {dimensions = array<i32: 1>} : vector<1x128xi32>
    %eq3A = arith.constant 0 : i32
    %eq3A_0 = vector.broadcast %eq3A : i32 to vector<1x128xi32>
    %eq3A_1 = arith.cmpi eq, %iota3A, %eq3A_0 : vector<1x128xi32>
    %get3A = arith.constant 0 : index
    %get3A_2 = arith.constant 0 : index
    %get3A_3 = vector.load %arg3[%get3A, %get3A_2] : memref<8x128xf32, #tpu.memory_space<vmem>>, vector<1x128xf32>
    %jit3A = arith.constant 0.000000e+00 : f32
    %broadcast_in_dim3A = vector.broadcast %jit3A : f32 to vector<1x128xf32>
    %select_n3A = arith.select %eq3A_1, %get3A_3, %broadcast_in_dim3A : vector<1x128xi1>, vector<1x128xf32>
    %reduce_max3A = arith.constant dense<0xFF800000> : vector<1xf32>
    %reduce_max3A_4 = vector.multi_reduction <maximumf>, %select_n3A, %reduce_max3A [1] : vector<1x128xf32> to vector<1xf32>
    %broadcast_in_dim3A_5 = vector.shape_cast %reduce_max3A_4 : vector<1xf32> to vector<1x1xf32>
    %eq3A_6 = arith.constant 1 : i32
    %eq3A_7 = vector.broadcast %eq3A_6 : i32 to vector<1x128xi32>
    %eq3A_8 = arith.cmpi eq, %iota3A, %eq3A_7 : vector<1x128xi32>
    %get3A_9 = arith.constant 0 : index
    %get3A_10 = arith.constant 0 : index
    %get3A_11 = vector.load %arg3[%get3A_9, %get3A_10] : memref<8x128xf32, #tpu.memory_space<vmem>>, vector<1x128xf32>
    %jit3A_12 = arith.constant 0.000000e+00 : f32
    %broadcast_in_dim3A_13 = vector.broadcast %jit3A_12 : f32 to vector<1x128xf32>
    %select_n3A_14 = arith.select %eq3A_8, %get3A_11, %broadcast_in_dim3A_13 : vector<1x128xi1>, vector<1x128xf32>
    %reduce_max3A_15 = arith.constant dense<0xFF800000> : vector<1xf32>
    %reduce_max3A_16 = vector.multi_reduction <maximumf>, %select_n3A_14, %reduce_max3A_15 [1] : vector<1x128xf32> to vector<1xf32>
    %broadcast_in_dim3A_17 = vector.shape_cast %reduce_max3A_16 : vector<1xf32> to vector<1x1xf32>
    %eq3A_18 = arith.constant 2 : i32
    %eq3A_19 = vector.broadcast %eq3A_18 : i32 to vector<1x128xi32>
    %eq3A_20 = arith.cmpi eq, %iota3A, %eq3A_19 : vector<1x128xi32>
    %get3A_21 = arith.constant 0 : index
    %get3A_22 = arith.constant 0 : index
    %get3A_23 = vector.load %arg3[%get3A_21, %get3A_22] : memref<8x128xf32, #tpu.memory_space<vmem>>, vector<1x128xf32>
    %jit3A_24 = arith.constant 0.000000e+00 : f32
    %broadcast_in_dim3A_25 = vector.broadcast %jit3A_24 : f32 to vector<1x128xf32>
    %select_n3A_26 = arith.select %eq3A_20, %get3A_23, %broadcast_in_dim3A_25 : vector<1x128xi1>, vector<1x128xf32>
    %reduce_max3A_27 = arith.constant dense<0xFF800000> : vector<1xf32>
    %reduce_max3A_28 = vector.multi_reduction <maximumf>, %select_n3A_26, %reduce_max3A_27 [1] : vector<1x128xf32> to vector<1xf32>
    %broadcast_in_dim3A_29 = vector.shape_cast %reduce_max3A_28 : vector<1xf32> to vector<1x1xf32>
    %eq3A_30 = arith.constant 3 : i32
    %eq3A_31 = vector.broadcast %eq3A_30 : i32 to vector<1x128xi32>
    %eq3A_32 = arith.cmpi eq, %iota3A, %eq3A_31 : vector<1x128xi32>
    %get3A_33 = arith.constant 0 : index
    %get3A_34 = arith.constant 0 : index
    %get3A_35 = vector.load %arg3[%get3A_33, %get3A_34] : memref<8x128xf32, #tpu.memory_space<vmem>>, vector<1x128xf32>
    %jit3A_36 = arith.constant 0.000000e+00 : f32
    %broadcast_in_dim3A_37 = vector.broadcast %jit3A_36 : f32 to vector<1x128xf32>
    %select_n3A_38 = arith.select %eq3A_32, %get3A_35, %broadcast_in_dim3A_37 : vector<1x128xi1>, vector<1x128xf32>
    %reduce_max3A_39 = arith.constant dense<0xFF800000> : vector<1xf32>
    %reduce_max3A_40 = vector.multi_reduction <maximumf>, %select_n3A_38, %reduce_max3A_39 [1] : vector<1x128xf32> to vector<1xf32>
    %broadcast_in_dim3A_41 = vector.shape_cast %reduce_max3A_40 : vector<1xf32> to vector<1x1xf32>
    %eq3A_42 = arith.constant 4 : i32
    %eq3A_43 = vector.broadcast %eq3A_42 : i32 to vector<1x128xi32>
    %eq3A_44 = arith.cmpi eq, %iota3A, %eq3A_43 : vector<1x128xi32>
    %get3A_45 = arith.constant 0 : index
    %get3A_46 = arith.constant 0 : index
    %get3A_47 = vector.load %arg3[%get3A_45, %get3A_46] : memref<8x128xf32, #tpu.memory_space<vmem>>, vector<1x128xf32>
    %jit3A_48 = arith.constant 0.000000e+00 : f32
    %broadcast_in_dim3A_49 = vector.broadcast %jit3A_48 : f32 to vector<1x128xf32>
    %select_n3A_50 = arith.select %eq3A_44, %get3A_47, %broadcast_in_dim3A_49 : vector<1x128xi1>, vector<1x128xf32>
    %reduce_max3A_51 = arith.constant dense<0xFF800000> : vector<1xf32>
    %reduce_max3A_52 = vector.multi_reduction <maximumf>, %select_n3A_50, %reduce_max3A_51 [1] : vector<1x128xf32> to vector<1xf32>
    %broadcast_in_dim3A_53 = vector.shape_cast %reduce_max3A_52 : vector<1xf32> to vector<1x1xf32>
    %eq3A_54 = arith.constant 5 : i32
    %eq3A_55 = vector.broadcast %eq3A_54 : i32 to vector<1x128xi32>
    %eq3A_56 = arith.cmpi eq, %iota3A, %eq3A_55 : vector<1x128xi32>
    %get3A_57 = arith.constant 0 : index
    %get3A_58 = arith.constant 0 : index
    %get3A_59 = vector.load %arg3[%get3A_57, %get3A_58] : memref<8x128xf32, #tpu.memory_space<vmem>>, vector<1x128xf32>
    %jit3A_60 = arith.constant 0.000000e+00 : f32
    %broadcast_in_dim3A_61 = vector.broadcast %jit3A_60 : f32 to vector<1x128xf32>
    %select_n3A_62 = arith.select %eq3A_56, %get3A_59, %broadcast_in_dim3A_61 : vector<1x128xi1>, vector<1x128xf32>
    %reduce_max3A_63 = arith.constant dense<0xFF800000> : vector<1xf32>
    %reduce_max3A_64 = vector.multi_reduction <maximumf>, %select_n3A_62, %reduce_max3A_63 [1] : vector<1x128xf32> to vector<1xf32>
    %broadcast_in_dim3A_65 = vector.shape_cast %reduce_max3A_64 : vector<1xf32> to vector<1x1xf32>
    %get3A_66 = arith.constant 0 : index
    %get3A_67 = arith.constant 0 : index
    %get3A_68 = vector.load %arg0[%get3A_66, %get3A_67] : memref<8x5120xf32, #tpu.memory_space<vmem>>, vector<8x5120xf32>
    %slice3A = vector.extract_strided_slice %get3A_68 {offsets = [0, 0], sizes = [1, 5120], strides = [1, 1]} : vector<8x5120xf32> to vector<1x5120xf32>
    %mul3A = arith.constant 1.280000e+02 : f32
    %mul3A_69 = vector.broadcast %mul3A : f32 to vector<1x5120xf32>
    %mul3A_70 = arith.mulf %slice3A, %mul3A_69 : vector<1x5120xf32>
    %slice3A_71 = vector.extract_strided_slice %get3A_68 {offsets = [1, 0], sizes = [1, 5120], strides = [1, 1]} : vector<8x5120xf32> to vector<1x5120xf32>
    %mul3A_72 = arith.constant 1.280000e+02 : f32
    %mul3A_73 = vector.broadcast %mul3A_72 : f32 to vector<1x5120xf32>
    %mul3A_74 = arith.mulf %slice3A_71, %mul3A_73 : vector<1x5120xf32>
    %mul3A_75 = vector.broadcast %broadcast_in_dim3A_5 : vector<1x1xf32> to vector<1x5120xf32>
    %mul3A_76 = arith.mulf %mul3A_75, %mul3A_70 : vector<1x5120xf32>
    %mul3A_77 = vector.broadcast %broadcast_in_dim3A_17 : vector<1x1xf32> to vector<1x5120xf32>
    %mul3A_78 = arith.mulf %mul3A_77, %mul3A_74 : vector<1x5120xf32>
    %add3A = arith.addf %mul3A_76, %mul3A_78 : vector<1x5120xf32>
    %add3A_79 = vector.broadcast %broadcast_in_dim3A_29 : vector<1x1xf32> to vector<1x5120xf32>
    %add3A_80 = arith.addf %add3A, %add3A_79 : vector<1x5120xf32>
    %mul3A_81 = vector.broadcast %broadcast_in_dim3A_41 : vector<1x1xf32> to vector<1x5120xf32>
    %mul3A_82 = arith.mulf %mul3A_81, %mul3A_70 : vector<1x5120xf32>
    %mul3A_83 = vector.broadcast %broadcast_in_dim3A_53 : vector<1x1xf32> to vector<1x5120xf32>
    %mul3A_84 = arith.mulf %mul3A_83, %mul3A_74 : vector<1x5120xf32>
    %add3A_85 = arith.addf %mul3A_82, %mul3A_84 : vector<1x5120xf32>
    %add3A_86 = vector.broadcast %broadcast_in_dim3A_65 : vector<1x1xf32> to vector<1x5120xf32>
    %add3A_87 = arith.addf %add3A_85, %add3A_86 : vector<1x5120xf32>
    %slice3A_88 = vector.extract_strided_slice %get3A_68 {offsets = [2, 0], sizes = [1, 5120], strides = [1, 1]} : vector<8x5120xf32> to vector<1x5120xf32>
    %mul3A_89 = arith.constant 1.280000e+02 : f32
    %mul3A_90 = vector.broadcast %mul3A_89 : f32 to vector<1x5120xf32>
    %mul3A_91 = arith.mulf %slice3A_88, %mul3A_90 : vector<1x5120xf32>
    %mul3A_92 = vector.broadcast %broadcast_in_dim3A_5 : vector<1x1xf32> to vector<1x5120xf32>
    %mul3A_93 = arith.mulf %mul3A_91, %mul3A_92 : vector<1x5120xf32>
    %slice3A_94 = vector.extract_strided_slice %get3A_68 {offsets = [3, 0], sizes = [1, 5120], strides = [1, 1]} : vector<8x5120xf32> to vector<1x5120xf32>
    %mul3A_95 = arith.constant 1.280000e+02 : f32
    %mul3A_96 = vector.broadcast %mul3A_95 : f32 to vector<1x5120xf32>
    %mul3A_97 = arith.mulf %slice3A_94, %mul3A_96 : vector<1x5120xf32>
    %mul3A_98 = vector.broadcast %broadcast_in_dim3A_53 : vector<1x1xf32> to vector<1x5120xf32>
    %mul3A_99 = arith.mulf %mul3A_97, %mul3A_98 : vector<1x5120xf32>
    %slice3A_100 = vector.extract_strided_slice %get3A_68 {offsets = [4, 0], sizes = [1, 5120], strides = [1, 1]} : vector<8x5120xf32> to vector<1x5120xf32>
    %mul3A_101 = arith.constant 1.280000e+02 : f32
    %mul3A_102 = vector.broadcast %mul3A_101 : f32 to vector<1x5120xf32>
    %mul3A_103 = arith.mulf %slice3A_100, %mul3A_102 : vector<1x5120xf32>
    %mul3A_104 = vector.broadcast %broadcast_in_dim3A_5 : vector<1x1xf32> to vector<1x5120xf32>
    %mul3A_105 = arith.mulf %mul3A_103, %mul3A_104 : vector<1x5120xf32>
    %slice3A_106 = vector.extract_strided_slice %get3A_68 {offsets = [5, 0], sizes = [1, 5120], strides = [1, 1]} : vector<8x5120xf32> to vector<1x5120xf32>
    %mul3A_107 = arith.constant 1.280000e+02 : f32
    %mul3A_108 = vector.broadcast %mul3A_107 : f32 to vector<1x5120xf32>
    %mul3A_109 = arith.mulf %slice3A_106, %mul3A_108 : vector<1x5120xf32>
    %mul3A_110 = vector.broadcast %broadcast_in_dim3A_53 : vector<1x1xf32> to vector<1x5120xf32>
    %mul3A_111 = arith.mulf %mul3A_109, %mul3A_110 : vector<1x5120xf32>
    %get3A_112 = arith.constant 0 : index
    %get3A_113 = arith.constant 0 : index
    %get3A_114 = vector.load %arg1[%get3A_112, %get3A_113] : memref<8x5120xf32, #tpu.memory_space<vmem>>, vector<8x5120xf32>
    %slice3A_115 = vector.extract_strided_slice %get3A_114 {offsets = [0, 0], sizes = [1, 5120], strides = [1, 1]} : vector<8x5120xf32> to vector<1x5120xf32>
    %mul3A_116 = arith.constant 1.280000e+02 : f32
    %mul3A_117 = vector.broadcast %mul3A_116 : f32 to vector<1x5120xf32>
    %mul3A_118 = arith.mulf %slice3A_115, %mul3A_117 : vector<1x5120xf32>
    %slice3A_119 = vector.extract_strided_slice %get3A_114 {offsets = [1, 0], sizes = [1, 5120], strides = [1, 1]} : vector<8x5120xf32> to vector<1x5120xf32>
    %mul3A_120 = arith.constant 1.280000e+02 : f32
    %mul3A_121 = vector.broadcast %mul3A_120 : f32 to vector<1x5120xf32>
    %mul3A_122 = arith.mulf %slice3A_119, %mul3A_121 : vector<1x5120xf32>
    %mul3A_123 = vector.broadcast %broadcast_in_dim3A_5 : vector<1x1xf32> to vector<1x5120xf32>
    %mul3A_124 = arith.mulf %mul3A_123, %mul3A_118 : vector<1x5120xf32>
    %mul3A_125 = vector.broadcast %broadcast_in_dim3A_17 : vector<1x1xf32> to vector<1x5120xf32>
    %mul3A_126 = arith.mulf %mul3A_125, %mul3A_122 : vector<1x5120xf32>
    %add3A_127 = arith.addf %mul3A_124, %mul3A_126 : vector<1x5120xf32>
    %add3A_128 = vector.broadcast %broadcast_in_dim3A_29 : vector<1x1xf32> to vector<1x5120xf32>
    %add3A_129 = arith.addf %add3A_127, %add3A_128 : vector<1x5120xf32>
    %mul3A_130 = vector.broadcast %broadcast_in_dim3A_41 : vector<1x1xf32> to vector<1x5120xf32>
    %mul3A_131 = arith.mulf %mul3A_130, %mul3A_118 : vector<1x5120xf32>
    %mul3A_132 = vector.broadcast %broadcast_in_dim3A_53 : vector<1x1xf32> to vector<1x5120xf32>
    %mul3A_133 = arith.mulf %mul3A_132, %mul3A_122 : vector<1x5120xf32>
    %add3A_134 = arith.addf %mul3A_131, %mul3A_133 : vector<1x5120xf32>
    %add3A_135 = vector.broadcast %broadcast_in_dim3A_65 : vector<1x1xf32> to vector<1x5120xf32>
    %add3A_136 = arith.addf %add3A_134, %add3A_135 : vector<1x5120xf32>
    %slice3A_137 = vector.extract_strided_slice %get3A_114 {offsets = [2, 0], sizes = [1, 5120], strides = [1, 1]} : vector<8x5120xf32> to vector<1x5120xf32>
    %mul3A_138 = arith.constant 1.280000e+02 : f32
    %mul3A_139 = vector.broadcast %mul3A_138 : f32 to vector<1x5120xf32>
    %mul3A_140 = arith.mulf %slice3A_137, %mul3A_139 : vector<1x5120xf32>
    %mul3A_141 = vector.broadcast %broadcast_in_dim3A_5 : vector<1x1xf32> to vector<1x5120xf32>
    %mul3A_142 = arith.mulf %mul3A_140, %mul3A_141 : vector<1x5120xf32>
    %slice3A_143 = vector.extract_strided_slice %get3A_114 {offsets = [3, 0], sizes = [1, 5120], strides = [1, 1]} : vector<8x5120xf32> to vector<1x5120xf32>
    %mul3A_144 = arith.constant 1.280000e+02 : f32
    %mul3A_145 = vector.broadcast %mul3A_144 : f32 to vector<1x5120xf32>
    %mul3A_146 = arith.mulf %slice3A_143, %mul3A_145 : vector<1x5120xf32>
    %mul3A_147 = vector.broadcast %broadcast_in_dim3A_53 : vector<1x1xf32> to vector<1x5120xf32>
    %mul3A_148 = arith.mulf %mul3A_146, %mul3A_147 : vector<1x5120xf32>
    %slice3A_149 = vector.extract_strided_slice %get3A_114 {offsets = [4, 0], sizes = [1, 5120], strides = [1, 1]} : vector<8x5120xf32> to vector<1x5120xf32>
    %mul3A_150 = arith.constant 1.280000e+02 : f32
    %mul3A_151 = vector.broadcast %mul3A_150 : f32 to vector<1x5120xf32>
    %mul3A_152 = arith.mulf %slice3A_149, %mul3A_151 : vector<1x5120xf32>
    %mul3A_153 = vector.broadcast %broadcast_in_dim3A_5 : vector<1x1xf32> to vector<1x5120xf32>
    %mul3A_154 = arith.mulf %mul3A_152, %mul3A_153 : vector<1x5120xf32>
    %slice3A_155 = vector.extract_strided_slice %get3A_114 {offsets = [5, 0], sizes = [1, 5120], strides = [1, 1]} : vector<8x5120xf32> to vector<1x5120xf32>
    %mul3A_156 = arith.constant 1.280000e+02 : f32
    %mul3A_157 = vector.broadcast %mul3A_156 : f32 to vector<1x5120xf32>
    %mul3A_158 = arith.mulf %slice3A_155, %mul3A_157 : vector<1x5120xf32>
    %mul3A_159 = vector.broadcast %broadcast_in_dim3A_53 : vector<1x1xf32> to vector<1x5120xf32>
    %mul3A_160 = arith.mulf %mul3A_158, %mul3A_159 : vector<1x5120xf32>
    %get3A_161 = arith.constant 0 : index
    %get3A_162 = arith.constant 0 : index
    %get3A_163 = vector.load %arg2[%get3A_161, %get3A_162] : memref<8x5120xf32, #tpu.memory_space<vmem>>, vector<1x5120xf32>
    %logistic3A = arith.negf %get3A_163 : vector<1x5120xf32>
    %logistic3A_164 = math.exp %logistic3A : vector<1x5120xf32>
    %logistic3A_165 = arith.constant 1.000000e+00 : f32
    %logistic3A_166 = vector.broadcast %logistic3A_165 : f32 to vector<1x5120xf32>
    %logistic3A_167 = arith.addf %logistic3A_166, %logistic3A_164 : vector<1x5120xf32>
    %logistic3A_168 = arith.divf %logistic3A_166, %logistic3A_167 : vector<1x5120xf32>
    %get3A_169 = arith.constant 1 : index
    %get3A_170 = arith.constant 0 : index
    %get3A_171 = vector.load %arg2[%get3A_169, %get3A_170] : memref<8x5120xf32, #tpu.memory_space<vmem>>, vector<1x5120xf32>
    %sub3A = arith.subf %add3A_80, %mul3A_93 : vector<1x5120xf32>
    %sub3A_172 = arith.subf %add3A_87, %mul3A_99 : vector<1x5120xf32>
    %add3A_173 = arith.addf %add3A_80, %mul3A_105 : vector<1x5120xf32>
    %add3A_174 = arith.addf %add3A_87, %mul3A_111 : vector<1x5120xf32>
    %sub3A_175 = arith.subf %add3A_129, %mul3A_142 : vector<1x5120xf32>
    %sub3A_176 = arith.subf %add3A_136, %mul3A_148 : vector<1x5120xf32>
    %add3A_177 = arith.addf %add3A_129, %mul3A_154 : vector<1x5120xf32>
    %add3A_178 = arith.addf %add3A_136, %mul3A_160 : vector<1x5120xf32>
    %broadcast_in_dim3A_179 = arith.constant 0.000000e+00 : f32
    %broadcast_in_dim3A_180 = vector.broadcast %broadcast_in_dim3A_179 : f32 to vector<5x5120xf32>
    %concatenate3A = tpu.concatenate %logistic3A_168, %sub3A, %sub3A_172, %add3A_173, %add3A_174, %add3A_80, %add3A_87, %sub3A_175, %sub3A_176, %add3A_177, %add3A_178, %broadcast_in_dim3A_180 in 0 : vector<1x5120xf32>, vector<1x5120xf32>, vector<1x5120xf32>, vector<1x5120xf32>, vector<1x5120xf32>, vector<1x5120xf32>, vector<1x5120xf32>, vector<1x5120xf32>, vector<1x5120xf32>, vector<1x5120xf32>, vector<1x5120xf32>, vector<5x5120xf32> -> vector<16x5120xf32>
    %mul3A_181 = vector.broadcast %get3A_171 : vector<1x5120xf32> to vector<16x5120xf32>
    %mul3A_182 = arith.mulf %concatenate3A, %mul3A_181 : vector<16x5120xf32>
    %swap3A = arith.constant 0 : index
    %swap3A_183 = arith.constant 0 : index
    %swap3A_184 = vector.load %arg4[%swap3A, %swap3A_183] : memref<16x5120xf32, #tpu.memory_space<vmem>>, vector<16x5120xf32>
    tpu.vector_store %arg4[%swap3A, %swap3A_183], %mul3A_182 {strides = array<i32>} : memref<16x5120xf32, #tpu.memory_space<vmem>>, vector<16x5120xf32>,
    return
  }
}

</mosaic_0001>

<sc_bundles>
// kernel: gather_offload_async_start
scs
__scs_entry_jumppad:
0x0: {  	(pc) =	sbr.rel $0x88, $3  }
0x1: {  	(tag) =	ssettag $0x0;
	lr =	simm.s32 $0x1  }
0x2: {  	[smem:$0x3F9C] =	sst lr;
	_ =	strace $0xD0000000  }
0x3: {  	_ = 	snop  }
0x4: {  	_ = 	snop  }
0x5: {  	_ = 	snop  }
0x6: {  	_ = 	snop  }
0x7: {  	_ = 	snop  }
__scs_overlays_trampoline_lowered:
0x8: {  	[smem:$0x3FAB] =	sst s0  }
0x9: {  	[smem:$0x3FAC] =	sst s1  }
0xa: {  	[smem:$0x3FAD] =	sst s2  }
0xb: {  	[smem:$0x3FAE] =	sst s3  }
0xc: {  	[smem:$0x3FAF] =	sst s4  }
0xd: {  	[smem:$0x3FB0] =	sst s5  }
0xe: {  	[smem:$0x3FB1] =	sst s6  }
0xf: {  	[smem:$0x3FB2] =	sst s7  }
0x10: {  	[smem:$0x3FB3] =	sst s8  }
0x11: {  	[smem:$0x3FB4] =	sst s9;
	s0 =	simm.s32 @!p0 $0x0  }
0x12: {  	s1 =	sld [smem:$0x3F9A];
	s0 =	simm.s32 @p0 $0x1  }
0x13: {  	[smem:$0x3FB5] =	sst s0;
	s0 =	simm.s32 @!p1 $0x0  }
0x14: {  	s2 =	sld [smem:$0x3F99];
	s0 =	simm.s32 @p1 $0x1  }
0x15: {  	[smem:$0x3FB6] =	sst s0;
	s0 =	simm.s32 @!p2 $0x0  }
0x16: {  	s3 =	sld [smem:$0x3FDB];
	s0 =	simm.s32 @p2 $0x1  }
0x17: {  	s4 =	simm.s32 $0x1BF5;
	[smem:$0x3FB8] =	sst s0  }
0x18: {  	s0 =	sld [smem:$0x3F9B];
	_ =	swait.ge [sflag:s4], $0x0  }
0x19: {  	s7 =	sld [smem:$0x3F9C]  }
0x1a: {  	s8 =	sadd.s32 $0xFFFFE003, lr  }
0x1b: {  	s9 =	sadd.s32 $0xFFFFFEF7, lr;
	s5 =	simm.s32 $0xFFFFFFFF;
	p2 =	slt.u32 s8, $0xFFFFF086  }
0x1c: {  	p1 =	slt.u32 s9, $0xF7A;
	s5 =	simm.s32 @!p2 $0x0  }
0x1d: {  	s5 =	simm.s32 @p1 $0x1;
	p0 =	seq.s32 s7, s2  }
0x1e: {  	s7 =	smul.u32 @!p0 $0xF7A, s2;
	p2 =	seq.s32 @!p0 s5, $0x0  }
0x1f: {  	s9 =	smul.u32 $0xF7A, s1;
	s8 =	simm.s32 @!p0 $0x1BF5;
	p2 =	por !p2, p0  }
0x20: {  	[sflag:s8] =	ssyncset.s32 @!p0 $0xFFFFF086;
	s6 =	sadd.s32 @!p0 s3, s7;
	s7 =	simm.s32 @!p0 $0x108  }
0x21: {  	s3 =	sadd.s32 s3, s9;
	s6 =	sadd.s32 @!p0 $0x88, s6;
	s7 =	simm.s32 @p2 $0x1082  }
0x22: {  	[simem:s7], [sflag:s8] =	dma.local @!p0 [hbm:s6], $0xF7A  }
0x23: {  	s9 =	sor.u32 $0xD0000000, s2;
	s6 =	simm.s32 $0x108;
	_ =	swait.ge @!p0 [sflag:s8], $0x0  }
0x24: {  	s3 =	sadd.s32 $0x88, s3;
	s6 =	simm.s32 @!p1 $0x1082;
	[sflag:s4] =	ssyncset.s32 $0xFFFFF086  }
0x25: {  	[simem:s6], [sflag:s4] =	dma.local [hbm:s3], $0xF7A  }
0x26: {  	[smem:$0x3F9C] =	sst s1;
	(tag) =	ssettag s2;
	_ =	strace s9  }
0x27: {  	s1 =	sld [smem:$0x3FAC]  }
0x28: {  	s2 =	sld [smem:$0x3FAD]  }
0x29: {  	s4 =	sld [smem:$0x3FAF]  }
0x2a: {  	p0 =	seq.s32 s5, $0x0;
	s5 =	sld [smem:$0x3FB0]  }
0x2b: {  	s6 =	sld [smem:$0x3FB1]  }
0x2c: {  	s7 =	sld [smem:$0x3FB2]  }
0x2d: {  	s3 =	simm.s32 $0x108;
	s8 =	sld [smem:$0x3FB3]  }
0x2e: {  	s3 =	simm.s32 @!p0 $0x1082;
	s9 =	sld [smem:$0x3FB4]  }
0x2f: {  	lr =	sadd.s32 s0, s3;
	s0 =	sld [smem:$0x3FAB]  }
0x30: {  	s3 =	sld [smem:$0x3FAE]  }
0x31: {  	[smem:$0x3FB7] =	sst s10  }
0x32: {  	s10 =	sld [smem:$0x3FB5];
	_ =	sdelay $0x3  }
0x33: {  	p0 =	seq.s32 s10, $0x1;
	s10 =	sld [smem:$0x3FB7];
	_ =	sdelay $0x3  }
0x34: {  	[smem:$0x3FB7] =	sst s10  }
0x35: {  	s10 =	sld [smem:$0x3FB6];
	_ =	sdelay $0x3  }
0x36: {  	p1 =	seq.s32 s10, $0x1;
	s10 =	sld [smem:$0x3FB7];
	_ =	sdelay $0x3  }
0x37: {  	[smem:$0x3FB7] =	sst s10  }
0x38: {  	s10 =	sld [smem:$0x3FB8]  }
0x39: {  	_ = 	snop;
	(pc) =	sbr.ind lr, $3  }
0x3a: {  	_ = 	snop  }
0x3b: {  	_ = 	snop  }
0x3c: {  	p2 =	seq.s32 s10, $0x1;
	s10 =	sld [smem:$0x3FB7]  }
0x3d: {  	_ =	shalt  }
0x3e: {  	_ =	shalt  }
0x3f: {  	_ =	shalt  }
0x40: {  	_ =	shalt  }
0x41: {  	_ =	shalt  }
0x42: {  	_ =	shalt  }
0x43: {  	_ =	shalt  }
0x44: {  	_ =	shalt  }
0x45: {  	_ =	shalt  }
0x46: {  	_ =	shalt  }
0x47: {  	_ =	shalt  }
0x48: {  	_ =	shalt  }
0x49: {  	_ =	shalt  }
0x4a: {  	_ =	shalt  }
0x4b: {  	_ =	shalt  }
0x4c: {  	_ =	shalt  }
0x4d: {  	_ =	shalt  }
0x4e: {  	_ =	shalt  }
0x4f: {  	_ =	shalt  }
0x50: {  	_ =	shalt  }
0x51: {  	_ =	shalt  }
0x52: {  	_ =	shalt  }
0x53: {  	_ =	shalt  }
0x54: {  	_ =	shalt  }
0x55: {  	_ =	shalt  }
0x56: {  	_ =	shalt  }
0x57: {  	_ =	shalt  }
0x58: {  	_ =	shalt  }
0x59: {  	_ =	shalt  }
0x5a: {  	_ =	shalt  }
0x5b: {  	_ =	shalt  }
0x5c: {  	_ =	shalt  }
0x5d: {  	_ =	shalt  }
0x5e: {  	_ =	shalt  }
0x5f: {  	_ =	shalt  }
0x60: {  	_ =	shalt  }
0x61: {  	_ =	shalt  }
0x62: {  	_ =	shalt  }
0x63: {  	_ =	shalt  }
0x64: {  	_ =	shalt  }
0x65: {  	_ =	shalt  }
0x66: {  	_ =	shalt  }
0x67: {  	_ =	shalt  }
0x68: {  	_ =	shalt  }
0x69: {  	_ =	shalt  }
0x6a: {  	_ =	shalt  }
0x6b: {  	_ =	shalt  }
0x6c: {  	_ =	shalt  }
0x6d: {  	_ =	shalt  }
0x6e: {  	_ =	shalt  }
0x6f: {  	_ =	shalt  }
0x70: {  	_ =	shalt  }
0x71: {  	_ =	shalt  }
0x72: {  	_ =	shalt  }
0x73: {  	_ =	shalt  }
0x74: {  	_ =	shalt  }
0x75: {  	_ =	shalt  }
0x76: {  	_ =	shalt  }
0x77: {  	_ =	shalt  }
0x78: {  	_ =	shalt  }
0x79: {  	_ =	shalt  }
0x7a: {  	_ =	shalt  }
0x7b: {  	_ =	shalt  }
0x7c: {  	_ =	shalt  }
0x7d: {  	_ =	shalt  }
0x7e: {  	_ =	shalt  }
0x7f: {  	_ =	shalt  }
0x80: {  	_ =	shalt  }
0x81: {  	_ =	shalt  }
0x82: {  	_ =	shalt  }
0x83: {  	_ =	shalt  }
0x84: {  	_ =	shalt  }
0x85: {  	_ =	shalt  }
0x86: {  	_ =	shalt  }
0x87: {  	_ =	shalt  }
.Lfunc_end0:
.L_simem_size_0:
called_computation_lowered:
.L_overlay_start_0:
0x88: {  	s0 =	sld [smem:$0x3FD9]  }
0x89: {  	s1 =	sld [smem:$0x3FFE];
	_ =	sdelay $0x3  }
0x8a: {  	s0 =	sadd.s32 s1, s0  }
0x8b: {  	[smem:$0x3FC3] =	sst s0  }
0x8c: {  	_ = 	snop  }
0x8d: {  	s0 =	sld [smem:$0x3FD0];
	_ =	sdelay $0x2  }
0x8e: {  	s13 =	simm.s32 $0xA;
	s2 =	simm.s32 $0x10  }
0x8f: {  	[smem:s2], [sflag:s13] =	dma.local [hbm:s0], $0x1  }
0x90: {  	_ =	swait.eq [sflag:s13], $0x1  }
0x91: {  	[sflag:s13] =	ssyncset.done $0x0  }
0x92: {  	[sflag:s13] =	ssyncadd.s32 $0xFFFFFFFF  }
0x93: {  	s14 =	sld [smem:$0x10];
	(tm) =	ssettm $0x1  }
0x94: {  	s15 =	sld [smem:$0x3FFB];
	_ =	sdelay $0x3  }
0x95: {  	_ =	strace s15  }
0x96: {  	s1 =	sld [smem:$0x3FFC];
	_ =	sdelay $0x3  }
0x97: {  	_ =	strace s1  }
0x98: {  	s1 =	sld [smem:$0x3FFD];
	_ =	sdelay $0x3  }
0x99: {  	_ =	strace s1  }
0x9a: {  	_ =	strace $0x8FFFFFFF  }
0x9b: {  	s16 =	sld [smem:$0x3FDB];
	_ =	sdelay $0x1  }
0x9c: {  	s17 =	simm.s32 $_scs_section_size  }
0x9d: {  	s3 =	simm.s32 $_size__tile_overlayer_lowered;
	s4 =	simm.s32 $_tile_overlayer_lowered  }
0x9e: {  	s20 =	simm.s32 $0x1BFF;
	s19 =	sshll.u32 s4, $0x1;
	s1 =	sadd.s32 s17, s16  }
0x9f: {  	s5 =	simm.s32 $0x0;
	s18 =	sshll.u32 s3, $0x1;
	s3 =	sadd.s32 s19, s1  }
0xa0: {  	[timem:s5], [sflag:s20] =	dma.local [hbm:s3], s18  }
0xa1: {  	_ =	swait.ge [sflag:s20], s18  }
0xa2: {  	s2 =	ssub.s32 $0x0, s18;
	[sflag:s20] =	ssyncset.done $0x0  }
0xa3: {  	[sflag:s20] =	ssyncadd.s32 s2;
	_ =	sdelay $0x1  }
0xa4: {  	s21 =	simm.s32 $0x1B8B  }
0xa5: {  	_ =	swait.ge [sflag:s21], $0x1  }
0xa6: {  	[sflag:s21] =	ssyncset.done $0x0  }
0xa7: {  	s23 =	simm.s32 $0x1B8E;
	s22 =	sld [smem:$0x3FFE];
	[sflag:s21] =	ssyncadd.s32 $0xFFFFFFFF  }
0xa8: {  	s24 =	simm.s32 $execute0_lowered;
	[smem:$0x3FD2] =	sst s23  }
0xa9: {  	s3 =	sshll.u32 s24, $0x1;
	_ =	strace $0x80000046;
	[dreg:$0x1] =	wrdreg $0xFFFFFFFF  }
0xaa: {  	s25 =	simm.s32 $_size_execute0_lowered;
	s1 =	sadd.s32 s1, s3;
	[dreg:$0x0] =	wrdreg $0x0  }
0xab: {  	s3 =	sshll.u32 s25, $0x1;
	[dreg:$0x2] =	wrdreg s1  }
0xac: {  	[dreg:$0x3] =	wrdreg s3  }
0xad: {  	[dreg:$0x4] =	wrdreg $0xC0  }
0xae: {  	_ =	task [dreg:s5], $0x5FFFF  }
0xaf: {  	[dreg:$0x1] =	wrdreg $0xFFFFFFFF  }
0xb0: {  	[dreg:$0x0] =	wrdreg $0x60  }
0xb1: {  	[dreg:$0x2] =	wrdreg s22  }
0xb2: {  	[dreg:$0x3] =	wrdreg s14  }
0xb3: {  	[dreg:$0x4] =	wrdreg $0x9  }
0xb4: {  	_ =	task.clear_ibuf [dreg:s5], $0x5FFFF;
	_ =	strace $0x90000046  }
0xb5: {  	s26 =	simm.s32 $0x9;
	_ =	strace $0x80000048  }
0xb6: {  	_ =	swait.ge [sflag:s26], $0x1  }
0xb7: {  	[sflag:s26] =	ssyncadd.s32 $0xFFFFFFFF  }
0xb8: {  	_ =	strace $0x90000048  }
0xb9: {  	_ =	sfence  }
0xba: {  	s28 =	sld [smem:$0x0];
	_ =	sdelay $0x1  }
0xbb: {  	s29 =	srdreg.scid  }
0xbc: {  	s30 =	sshll.u32 s29, $0xD;
	s31 =	sshrl.u32 s29, $0x2  }
0xbd: {  	s2 =	sand.u32 $0x4000, s30;
	s1 =	sand.u32 $0x1, s29;
	s0 =	sadd.s32 s31, s28  }
0xbe: {  	s1 =	sor.u32 s2, s1;
	s0 =	sshll.u32 s0, $0x11  }
0xbf: {  	s0 =	sor.u32 s0, s1  }
0xc0: {  	s0 =	sadd.s32 $0x8F2B, s0  }
0xc1: {  	[sflag:s0] =	ssyncadd.remote.s32 $0x1  }
0xc2: {  	_ =	sfence.sel $0xFFFF  }
0xc3: {  	[dreg:$0x0] =	wrdreg $0xFFFFFFFF;
	(pc) =	sbr.abs _section_cstart, $3  }
0xc4: {  	[dreg:$0x1] =	wrdreg $0xFFFFFFFF  }
0xc5: {  	_ =	task.clear_ibuf [dreg:s5], $0x2FFFF;
	_ =	strace $0x9FFFFFFF  }
0xc6: {  	(tm) =	ssettm $0x7FFFFFFF  }
0xc7: {  	_ =	shalt  }
tec
execute0_lowered:
.L_overlay_start_1:
0x0: {  	(tag) =	ssettag $0x1  }
0x1: {  	s0 =	stileid.u32  }
0x2: {  	s1 =	smin.u32 s0, $0x9  }
0x3: {  	s1 =	sadd.s32 s0, s1  }
0x4: {  	s2 =	simm.s32 $0x190;
	p0 =	slt.u32 s0, $0x9;
	s1 =	smul.u32 $0xC8, s1  }
0x5: {  	s2 =	simm.s32 @!p0 $0xC8  }
0x6: {  	s2 =	sadd.s32 s2, s1  }
0x7: {  	s3 =	smin.u32 s2, $0x1388  }
0x8: {  	s7 =	ssub.s32 s3, s1  }
0x9: {  	p0 =	sgt.s32 s7, $0x0  }
0xa: {  	s7 =	simm.s32 @!p0 $0x0  }
0xb: {  	s31 =	sand.u32 $0xFFF8, s7  }
0xc: {  	s2 =	sshrl.u32 s31, $0x3  }
0xd: {  	s4 =	rddreg [dreg:$0x0];
	s2 =	smul.u32 $0x147B, s2  }
0xe: {  	s5 =	rddreg [dreg:$0x1]  }
0xf: {  	s6 =	simm.s32 $0x1;
	s10 =	simm.s32 $0x3;
	s8 =	sshrl.u32 s2, $0x11  }
0x10: {  	s13 =	simm.s32 $0x0;
	s12 =	simm.s32 $0x0;
	s9 =	smul.u32 $0xC8, s8  }
.Ltmp0:
0x11: {  	s11 =	smov.u32 s1;
	s2 =	rddreg [dreg:$0x2];
	(pc) =	sbr.rel .LBB2_1-.Ltmp0, $4  }
0x12: {  	_ =	strace $0x80000047;
	p0 =	sne.s32 s7, s9;
	s9 =	simm.s32 $0x1  }
0x13: {  	[sflag:s6] =	ssyncpa.u1 $0x0;
	s7 =	simm.s32 $0x2;
	s9 =	simm.s32 @!p0 $0x0  }
0x14: {  	[sflag:s7] =	ssyncpa.u1 $0x0;
	p0 =	por $0x0, $0x0;
	s8 =	sadd.s32 s8, s9  }
0x15: {  	vm0 =	vmmov $0xff;
	vm1 =	vcmask $0x3F20;
	s9 =	sadd.s32 $0x13A00, s4;
	[sflag:s10] =	ssyncpa.u1 $0x0;
	s10 =	sadd.s32 $0x1, s8  }
.LBB2_6:
0x16: {  	[hbm:s17] =	stream.linear.scatter [tilespmem:s14], [sflag:$0x3], $0x400, $0x38;
	[tilespmem:$0xC990] =	vst v63  }
.LBB2_7:
0x17: {  	s13 =	sadd.s32 $0xC8, s11  }
0x18: {  	s15 =	smov.u32 s1;
	p2 =	slt.s32 s13, s3  }
0x19: {  	s15 =	smov.u32 @p2 s13;
	p2 =	sne.s32 s12, s10  }
.Ltmp1:
0x1a: {  	p1 =	slt.u32 s12, $0x2;
	(pc) =	sbr.rel @!p2 .LBB2_8-.Ltmp1, $4  }
0x1b: {  	s14 =	simm.s32 @!p1 $0x3  }
0x1c: {  	s16 =	sadd.s32 $0x1, s12;
	_ =	swait.ge @!p1 [sflag:s14], $0x6400  }
0x1d: {  	p0 =	por !p0, !p0;
	s13 =	smov.u32 s11;
	[sflag:s14] =	ssyncset.done @!p1 $0x0  }
0x1e: {  	s12 =	smov.u32 s16;
	s11 =	smov.u32 s15;
	[sflag:s14] =	ssyncadd.s32 @!p1 $0xFFFF9C00  }
.LBB2_1:
0x1f: {  	p1 =	sge.u32 s12, s8  }
0x20: {  	s14 =	sxor.u32 @!p1 $0xFFFFFFFF, s12  }
0x21: {  	s14 =	sand.u32 @!p1 $0x1, s14  }
0x22: {  	s14 =	smul.u32 @!p1 $0x320, s14  }
0x23: {  	s31 =	sadd.s32 $0xFFFFFFFF, s12;
	s15 =	sshrl.u32 @!p1 s11, $0x3  }
0x24: {  	s16 =	sand.u32 @!p1 $0x7, s11;
	s15 =	sadd.s32 @!p1 s5, s15;
	s14 =	sshrl.u32 @!p1 s14, $0x2  }
0x25: {  	[tilespmem:s14], [sflag:$0x2] =	stream.linear.gather @!p1 [hbm4b:s15+s16], $0xC8, $0x38;
	[tilespmem:$0xC990] =	vst v63  }
0x26: {  	p1 =	sge.u32 s31, s8  }
.Ltmp2:
0x27: {  	_ = 	snop;
	(pc) =	sbr.rel @p1 .LBB2_7-.Ltmp2, $1  }
0x28: {  	_ =	sdelay $0x3  }
0x29: {  	s14 =	simm.s32 $0x1  }
0x2a: {  	s14 =	simm.s32 @!p0 $0x0  }
0x2b: {  	s15 =	smul.u32 $0x320, s14  }
0x2c: {  	_ =	swait.ge [sflag:s7], $0xC8  }
0x2d: {  	[sflag:s7] =	ssyncset.done $0x0;
	s16 =	sshrl.u32 s15, $0x2  }
0x2e: {  	[sflag:s7] =	ssyncadd.s32 $0xFFFFFF38;
	s15 =	sadd.s32 $0x0, s16  }
0x2f: {  	v0 =	vld.msk [tilespmem:s15+$0x0 ss:$0x1], $0xffff;
	_ =	sdelay $0x4  }
0x30: {  	vm2 =	vgt.s32 v0, $0x0  }
0x31: {  	v0 =	vnsel vm2, $0x0, v0  }
0x32: {  	v0 =	vmin.u32 v0, $0x1387  }
0x33: {  	v0 =	vshll.u32 v0, $0x4  }
0x34: {  	s14 =	smul.u32 $0x19000, s14  }
0x35: {  	s31 =	sand.u32 $0x1, s12  }
0x36: {  	s17 =	smul.u32 $0x320, s31;
	s14 =	sshrl.u32 s14, $0x2  }
0x37: {  	s19 =	smul.u32 $0x19000, s31;
	s14 =	sor.u32 $0x190, s14  }
0x38: {  	[tilespmem:s14], [sflag:$0x1] =	stream.indirect_vreg.gather [hbm:s4], $0x80, v0, vm0, $0x38;
	[tilespmem:$0xC990] =	vst v63  }
0x39: {  	s18 =	sshrl.u32 s17, $0x2;
	s20 =	sadd.s32 $0x10, s16;
	s15 =	sadd.s32 $0x400, s14  }
0x3a: {  	[tilespmem:s15], [sflag:$0x1] =	stream.indirect_vreg.gather [hbm:s4], $0x80, v0, vm1, $0x38;
	[tilespmem:$0xC990] =	vst v63  }
0x3b: {  	s17 =	sshrl.u32 s19, $0x2;
	s19 =	smov.u32 s14;
	v0 =	vld.msk [tilespmem:s20+$0x0 ss:$0x1], $0xffff;
	s20 =	simm.s32 $0x80  }
.LBB2_3:
0x3c: {  	p1 =	sne.s32 s20, $0x2C0;
	_ =	sdelay $0x4  }
0x3d: {  	vm2 =	vgt.s32 v0, $0x0  }
0x3e: {  	v0 =	vnsel vm2, $0x0, v0  }
0x3f: {  	v0 =	vmin.u32 v0, $0x1387  }
0x40: {  	v0 =	vshll.u32 v0, $0x4;
	_ =	sdelay $0x3  }
.Ltmp3:
0x41: {  	s21 =	sshra.s32 s20, $0x2;
	s19 =	sadd.s32 $0x800, s19;
	(pc) =	sbr.rel @p1 .LBB2_3-.Ltmp3, $4  }
0x42: {  	[tilespmem:s19], [sflag:$0x1] =	stream.indirect_vreg.gather [hbm:s4], $0x80, v0, vm0, $0x38;
	[tilespmem:$0xC990] =	vst v63  }
0x43: {  	s21 =	sadd.s32 s21, s16;
	s22 =	sadd.s32 $0x400, s19  }
0x44: {  	[tilespmem:s22], [sflag:$0x1] =	stream.indirect_vreg.gather [hbm:s4], $0x80, v0, vm1, $0x38;
	[tilespmem:$0xC990] =	vst v63  }
0x45: {  	s20 =	sadd.s32 $0x40, s20;
	v0 =	vld.msk [tilespmem:s21+$0x0 ss:$0x1], $0xffff  }
0x46: {  	_ =	sdelay $0x3  }
0x47: {  	vm2 =	vgt.s32 v0, $0x0  }
0x48: {  	v0 =	vnsel vm2, $0x0, v0  }
0x49: {  	v0 =	vmin.u32 v0, $0x1387  }
0x4a: {  	v0 =	vshll.u32 v0, $0x4;
	_ =	sdelay $0x3  }
0x4b: {  	s16 =	sadd.s32 $0x800, s19  }
0x4c: {  	[tilespmem:s16], [sflag:$0x1] =	stream.indirect_vreg.gather [hbm:s4], $0x80, v0, vm0, $0x38;
	[tilespmem:$0xC990] =	vst v63  }
0x4d: {  	s16 =	sadd.s32 $0x400, s16  }
0x4e: {  	[tilespmem:s16], [sflag:$0x1] =	stream.indirect_vreg.gather [hbm:s4], $0x80, v0, vm1, $0x38;
	[tilespmem:$0xC990] =	vst v63  }
0x4f: {  	v0 =	vld.msk [tilespmem:s18+$0xC0 ss:$0x1], $0xff;
	_ =	sdelay $0x4  }
0x50: {  	vm2 =	vgt.s32 v0, $0x0  }
0x51: {  	v0 =	vnsel vm2, $0x0, v0  }
0x52: {  	v0 =	vmin.u32 v0, $0x1387  }
0x53: {  	v0 =	vshll.u32 v0, $0x4;
	_ =	sdelay $0x3  }
0x54: {  	s31 =	sadd.s32 $0x6190, s17  }
0x55: {  	[tilespmem:s31], [sflag:$0x1] =	stream.indirect_vreg.gather [hbm:s4], $0x80, v0, vm0, $0x38;
	[tilespmem:$0xC990] =	vst v63  }
0x56: {  	s13 =	sshll.u32 s13, $0x4;
	_ =	swait.ge [sflag:s6], $0x6400  }
0x57: {  	s13 =	sadd.s32 s13, s9;
	[sflag:s6] =	ssyncset.done $0x0  }
0x58: {  	s17 =	sadd.s32 $0x0, s13;
	s16 =	simm.s32 $0x80;
	[sflag:s6] =	ssyncadd.s32 $0xFFFF9C00  }
.LBB2_5:
0x59: {  	[hbm:s17] =	stream.linear.scatter [tilespmem:s14], [sflag:$0x3], $0x400, $0x38;
	[tilespmem:$0xC990] =	vst v63  }
0x5a: {  	s17 =	smov.u32 s16;
	s14 =	smov.u32 s15;
	p1 =	sne.s32 s16, $0xC00  }
.Ltmp4:
0x5b: {  	s16 =	sadd.s32 $0x80, s16;
	(pc) =	sbr.rel @p1 .LBB2_5-.Ltmp4, $2  }
0x5c: {  	_ =	sdelay $0x2  }
0x5d: {  	s15 =	sadd.s32 $0x400, s15;
	s17 =	sadd.s32 s17, s13  }
.Ltmp5:
0x5e: {  	_ = 	snop;
	(pc) =	sbr.rel .LBB2_6-.Ltmp5, $1  }
0x5f: {  	_ =	sdelay $0x3  }
.LBB2_8:
0x60: {  	_ =	sfence.sel $0x180000  }
0x61: {  	s1 =	simm.s32 $0x2;
	[bflag:$0x0] =	sbarrier.arrive $0xFFFF  }
0x62: {  	s30 =	simm.s32 $0x3;
	[sflag:s1] =	ssyncpa.u1 $0x1  }
0x63: {  	s31 =	simm.s32 $0x1;
	[sflag:s30] =	ssyncpa.u1 $0x1  }
0x64: {  	[sflag:s31] =	ssyncpa.u1 $0x1  }
0x65: {  	p0 =	sne.s32 s0, $0x0;
	_ =	strace $0x90000047  }
0x66: {  	s0 =	sadd.s32 @!p0 $0x100000, s2;
	[bflag:$0x2] =	sbarrier.arrive $0xFFFF  }
0x67: {  	[sflag:s0] =	ssyncadd.tile.s32 @!p0 $0x1;
	_ =	shalt  }
.Lfunc_end2:
_tile_overlayer_lowered:
.L_overlay_start_2:
0x68: {  	(tag) =	ssettag $0x2  }
0x69: {  	s0 =	rddreg [dreg:$0x0];
	s2 =	stileid.u32  }
0x6a: {  	s1 =	rddreg [dreg:$0x1];
	p0 =	sne.s32 s2, $0x0  }
0x6b: {  	s3 =	rddreg [dreg:$0x2];
	[bflag:$0x3] =	sbarrier.arrive $0xFFFF;
	s2 =	simm.s32 @!p0 $0x1C01  }
0x6c: {  	[timem:s3], [sflag:s2] =	dma.local @!p0 [hbm:s0], s1  }
0x6d: {  	s0 =	simm.s32 @!p0 $0x1  }
0x6e: {  	_ =	swait.ge @!p0 [sflag:s0], s1  }
0x6f: {  	s1 =	ssub.s32 @!p0 $0x0, s1;
	[sflag:s0] =	ssyncset.done @!p0 $0x0  }
0x70: {  	[sflag:s0] =	ssyncadd.s32 @!p0 s1  }
0x71: {  	[bflag:$0x3] =	sbarrier.arrive $0xFFFF  }
0x72: {  	_ =	shalt  }

</sc_bundles>
